<compile_context>
chip_gen: v7x
topology: tpu7x:2x2x1
jax: 0.10.2.dev20260603
libtpu: 0.0.44.dev20260713+nightly
codegen_flags: <defaults>
</compile_context>

<pallas_src>
import jax
import jax.numpy as jnp
from jax import lax
from jax.experimental import pallas as pl
from jax.experimental.pallas import tpu as pltpu

N = 262144
ROWS = 2048
LANES = 128
GROUPS = ROWS // LANES


def _finisher_body(es_ref, gs_ref, out_ref):
    X = gs_ref[...]
    E = es_ref[...]

    f32 = jnp.float32
    i128 = lax.broadcasted_iota(jnp.int32, (LANES, LANES), 0)
    j128 = lax.broadcasted_iota(jnp.int32, (LANES, LANES), 1)
    U = (i128 <= j128).astype(f32)

    incl = lax.dot(X, U, preferred_element_type=f32)
    rowsum = incl[:, LANES - 1 : LANES]

    iR = lax.broadcasted_iota(jnp.int32, (ROWS, ROWS), 0)
    jR = lax.broadcasted_iota(jnp.int32, (ROWS, ROWS), 1)
    Lst = (iR > jR).astype(f32)
    rows_excl = lax.dot(Lst, rowsum, preferred_element_type=f32)

    C = incl + rows_excl

    G = jnp.sum(X)
    pos_r = lax.broadcasted_iota(jnp.int32, (ROWS, LANES), 0) * LANES
    pos_c = lax.broadcasted_iota(jnp.int32, (ROWS, LANES), 1)
    pos = (pos_r + pos_c + 1).astype(f32)

    inter = G - C
    union = G + pos - C
    jac = 1.0 - inter / union

    zcol = jnp.zeros((ROWS, 1), f32)
    prev_lane = jnp.concatenate([zcol, jac[:, : LANES - 1]], axis=1)
    lastcol = jac[:, LANES - 1 : LANES]
    prev_row_last = jnp.concatenate(
        [jnp.zeros((1, 1), f32), lastcol[: ROWS - 1]], axis=0
    )
    lane_idx = lax.broadcasted_iota(jnp.int32, (ROWS, LANES), 1)
    prev = jnp.where(lane_idx == 0, prev_row_last, prev_lane)

    g = jac - prev
    loss = jnp.sum(jnp.maximum(E, 0.0) * g, keepdims=True).reshape(1, 1)
    out_ref[...] = loss


def _finisher(es2d, gs2d):
    return pl.pallas_call(
        _finisher_body,
        out_shape=jax.ShapeDtypeStruct((1, 1), jnp.float32),
        in_specs=[
            pl.BlockSpec(memory_space=pltpu.VMEM),
            pl.BlockSpec(memory_space=pltpu.VMEM),
        ],
        out_specs=pl.BlockSpec(memory_space=pltpu.VMEM),
    )(es2d, gs2d)


def kernel(logits, labels):
    labels_f = labels.astype(jnp.float32)
    signs = 2.0 * labels_f - 1.0
    errors = 1.0 - logits * signs
    perm = jnp.argsort(-errors)
    es = errors[perm].reshape(ROWS, LANES)
    gs = labels_f[perm].reshape(ROWS, LANES)
    loss = _finisher(es, gs)
    return loss.reshape(())

# --- scband reference (transcript-rebuilt; emitter-appended) ---
"""Pipeline reference for scband-lovasz-hinge-loss-86346022518892 (READ-ONLY COPY).

The authoritative reference and input builder live on the scoring server;
editing this copy changes nothing except your own understanding.
"""

import jax, jax.numpy as jnp
import numpy as np

N = 262144

def setup_inputs(seed: int = 0) -> dict:
    key = jax.random.key(seed)
    k1, k2 = jax.random.split(key)
    logits = jax.random.normal(k1, (N,), dtype=jnp.float32)
    labels = jax.random.randint(k2, (N,), 0, 2, dtype=jnp.int32)
    return {"logits": logits, "labels": labels}

def reference(logits, labels):
    # Binary Lovasz hinge loss, faithful to the torch module.
    labels_f = labels.astype(jnp.float32)
    signs = 2.0 * labels_f - 1.0
    errors = 1.0 - logits * signs
    # descending sort
    perm = jnp.argsort(-errors)
    errors_sorted = errors[perm]
    gt_sorted = labels_f[perm]
    # _lovasz_grad
    gts = gt_sorted.sum()
    intersection = gts - jnp.cumsum(gt_sorted)
    union = gts + jnp.cumsum(1.0 - gt_sorted)
    jaccard = 1.0 - intersection / union
    jaccard = jaccard.at[1:].set(jaccard[1:] - jaccard[:-1])
    loss = jnp.dot(jax.nn.relu(errors_sorted), jaccard)
    return loss

if __name__ == "__main__":
    import jax
    _d = setup_inputs()
    print(jax.jit(kernel)(*tuple(_d.values())))

</pallas_src>

<mosaic_0001>
module attributes {stable_mosaic.version = 14 : i64} {
  func.func @_finisher_body(%arg0: memref<2048x128xf32, #tpu.memory_space<vmem>>, %arg1: memref<2048x128xf32, #tpu.memory_space<vmem>>, %arg2: memref<1x1xf32, #tpu.memory_space<vmem>>) attributes {dimension_semantics = [], scalar_prefetch = 0 : i64, scratch_operands = 0 : i64, tpu.core_type = #tpu.core_type<tc>} {
    %get3A = arith.constant 0 : index
    %get3A_0 = arith.constant 0 : index
    %get3A_1 = vector.load %arg1[%get3A, %get3A_0] : memref<2048x128xf32, #tpu.memory_space<vmem>>, vector<2048x128xf32>
    %get3A_2 = arith.constant 0 : index
    %get3A_3 = arith.constant 0 : index
    %get3A_4 = vector.load %arg0[%get3A_2, %get3A_3] : memref<2048x128xf32, #tpu.memory_space<vmem>>, vector<2048x128xf32>
    %iota3A = tpu.iota {dimensions = array<i32: 0>} : vector<128x128xi32>
    %iota3A_5 = tpu.iota {dimensions = array<i32: 1>} : vector<128x128xi32>
    %le3A = arith.cmpi sle, %iota3A, %iota3A_5 : vector<128x128xi32>
    %convert_element_type3A = arith.extui %le3A : vector<128x128xi1> to vector<128x128xi32>
    %convert_element_type3A_6 = arith.sitofp %convert_element_type3A : vector<128x128xi32> to vector<128x128xf32>
    %dot_general3A = arith.constant dense<0.000000e+00> : vector<2048x128xf32>
    %dot_general3A_7 = tpu.matmul %get3A_1, %convert_element_type3A_6, %dot_general3A {dimension_numbers = #tpu.dot_dimension_numbers<[1], [0], [0], [1], [0, 0, 1, 1], [], []>, transpose_lhs_hint = false} : vector<2048x128xf32>, vector<128x128xf32>, vector<2048x128xf32> -> vector<2048x128xf32>
    %slice3A = vector.extract_strided_slice %dot_general3A_7 {offsets = [0, 127], sizes = [2048, 1], strides = [1, 1]} : vector<2048x128xf32> to vector<2048x1xf32>
    %iota3A_8 = tpu.iota {dimensions = array<i32: 0>} : vector<2048x2048xi32>
    %iota3A_9 = tpu.iota {dimensions = array<i32: 1>} : vector<2048x2048xi32>
    %gt3A = arith.cmpi sgt, %iota3A_8, %iota3A_9 : vector<2048x2048xi32>
    %convert_element_type3A_10 = arith.extui %gt3A : vector<2048x2048xi1> to vector<2048x2048xi32>
    %convert_element_type3A_11 = arith.sitofp %convert_element_type3A_10 : vector<2048x2048xi32> to vector<2048x2048xf32>
    %dot_general3A_12 = arith.constant dense<0.000000e+00> : vector<2048x1xf32>
    %dot_general3A_13 = tpu.matmul %convert_element_type3A_11, %slice3A, %dot_general3A_12 {dimension_numbers = #tpu.dot_dimension_numbers<[1], [0], [0], [1], [0, 0, 1, 1], [], []>, transpose_lhs_hint = false} : vector<2048x2048xf32>, vector<2048x1xf32>, vector<2048x1xf32> -> vector<2048x1xf32>
    %add3A = vector.broadcast %dot_general3A_13 : vector<2048x1xf32> to vector<2048x128xf32>
    %add3A_14 = arith.addf %dot_general3A_7, %add3A : vector<2048x128xf32>
    %reduce_sum3A = vector.shape_cast %get3A_1 : vector<2048x128xf32> to vector<1x2048x128xf32>
    %reduce_sum3A_15 = arith.constant dense<0.000000e+00> : vector<1xf32>
    %reduce_sum3A_16 = vector.multi_reduction <add>, %reduce_sum3A, %reduce_sum3A_15 [1, 2] : vector<1x2048x128xf32> to vector<1xf32>
    %reduce_sum3A_17 = vector.shape_cast %reduce_sum3A_16 : vector<1xf32> to vector<1x1x1xf32>
    %reduce_sum3A_18 = vector.extract %reduce_sum3A_17[0, 0, 0] : f32 from vector<1x1x1xf32>
    %iota3A_19 = tpu.iota {dimensions = array<i32: 0>} : vector<2048x128xi32>
    %mul3A = arith.constant 128 : i32
    %mul3A_20 = vector.broadcast %mul3A : i32 to vector<2048x128xi32>
    %mul3A_21 = arith.muli %iota3A_19, %mul3A_20 : vector<2048x128xi32>
    %iota3A_22 = tpu.iota {dimensions = array<i32: 1>} : vector<2048x128xi32>
    %add3A_23 = arith.addi %mul3A_21, %iota3A_22 : vector<2048x128xi32>
    %add3A_24 = arith.constant 1 : i32
    %add3A_25 = vector.broadcast %add3A_24 : i32 to vector<2048x128xi32>
    %add3A_26 = arith.addi %add3A_23, %add3A_25 : vector<2048x128xi32>
    %convert_element_type3A_27 = arith.sitofp %add3A_26 : vector<2048x128xi32> to vector<2048x128xf32>
    %sub3A = vector.broadcast %reduce_sum3A_18 : f32 to vector<2048x128xf32>
    %sub3A_28 = arith.subf %sub3A, %add3A_14 : vector<2048x128xf32>
    %add3A_29 = vector.broadcast %reduce_sum3A_18 : f32 to vector<2048x128xf32>
    %add3A_30 = arith.addf %add3A_29, %convert_element_type3A_27 : vector<2048x128xf32>
    %sub3A_31 = arith.subf %add3A_30, %add3A_14 : vector<2048x128xf32>
    %div3A = arith.divf %sub3A_28, %sub3A_31 : vector<2048x128xf32>
    %sub3A_32 = arith.constant 1.000000e+00 : f32
    %sub3A_33 = vector.broadcast %sub3A_32 : f32 to vector<2048x128xf32>
    %sub3A_34 = arith.subf %sub3A_33, %div3A : vector<2048x128xf32>
    %broadcast_in_dim3A = arith.constant 0.000000e+00 : f32
    %broadcast_in_dim3A_35 = vector.broadcast %broadcast_in_dim3A : f32 to vector<2048x1xf32>
    %slice3A_36 = vector.extract_strided_slice %sub3A_34 {offsets = [0, 0], sizes = [2048, 127], strides = [1, 1]} : vector<2048x128xf32> to vector<2048x127xf32>
    %concatenate3A = tpu.concatenate %broadcast_in_dim3A_35, %slice3A_36 in 1 : vector<2048x1xf32>, vector<2048x127xf32> -> vector<2048x128xf32>
    %slice3A_37 = vector.extract_strided_slice %sub3A_34 {offsets = [0, 127], sizes = [2048, 1], strides = [1, 1]} : vector<2048x128xf32> to vector<2048x1xf32>
    %broadcast_in_dim3A_38 = arith.constant 0.000000e+00 : f32
    %broadcast_in_dim3A_39 = vector.broadcast %broadcast_in_dim3A_38 : f32 to vector<1x1xf32>
    %slice3A_40 = vector.extract_strided_slice %slice3A_37 {offsets = [0, 0], sizes = [2047, 1], strides = [1, 1]} : vector<2048x1xf32> to vector<2047x1xf32>
    %concatenate3A_41 = tpu.concatenate %broadcast_in_dim3A_39, %slice3A_40 in 0 : vector<1x1xf32>, vector<2047x1xf32> -> vector<2048x1xf32>
    %iota3A_42 = tpu.iota {dimensions = array<i32: 1>} : vector<2048x128xi32>
    %eq3A = arith.constant 0 : i32
    %eq3A_43 = vector.broadcast %eq3A : i32 to vector<2048x128xi32>
    %eq3A_44 = arith.cmpi eq, %iota3A_42, %eq3A_43 : vector<2048x128xi32>
    %broadcast_in_dim3A_45 = vector.shape_cast %concatenate3A_41 : vector<2048x1xf32> to vector<2048x1xf32>
    %broadcast_in_dim3A_46 = vector.broadcast %broadcast_in_dim3A_45 : vector<2048x1xf32> to vector<2048x128xf32>
    %select_n3A = arith.select %eq3A_44, %broadcast_in_dim3A_46, %concatenate3A : vector<2048x128xi1>, vector<2048x128xf32>
    %sub3A_47 = arith.subf %sub3A_34, %select_n3A : vector<2048x128xf32>
    %max3A = arith.constant 0.000000e+00 : f32
    %max3A_48 = vector.broadcast %max3A : f32 to vector<2048x128xf32>
    %max3A_49 = arith.maximumf %get3A_4, %max3A_48 : vector<2048x128xf32>
    %mul3A_50 = arith.mulf %max3A_49, %sub3A_47 : vector<2048x128xf32>
    %reduce_sum3A_51 = vector.shape_cast %mul3A_50 : vector<2048x128xf32> to vector<1x2048x128xf32>
    %reduce_sum3A_52 = arith.constant dense<0.000000e+00> : vector<1xf32>
    %reduce_sum3A_53 = vector.multi_reduction <add>, %reduce_sum3A_51, %reduce_sum3A_52 [1, 2] : vector<1x2048x128xf32> to vector<1xf32>
    %reduce_sum3A_54 = vector.shape_cast %reduce_sum3A_53 : vector<1xf32> to vector<1x1x1xf32>
    %reduce_sum3A_55 = vector.extract %reduce_sum3A_54[0, 0, 0] : f32 from vector<1x1x1xf32>
    %broadcast_in_dim3A_56 = vector.broadcast %reduce_sum3A_55 : f32 to vector<1x1xf32>
    %swap3A = arith.constant 0 : index
    %swap3A_57 = arith.constant 0 : index
    %swap3A_58 = vector.load %arg2[%swap3A, %swap3A_57] : memref<1x1xf32, #tpu.memory_space<vmem>>, vector<1x1xf32>
    tpu.vector_store %arg2[%swap3A, %swap3A_57], %broadcast_in_dim3A_56 {strides = array<i32>} : memref<1x1xf32, #tpu.memory_space<vmem>>, vector<1x1xf32>,
    return
  }
}

</mosaic_0001>

<sc_bundles>
// kernel: gather_offload_async_start.1
scs
__scs_entry_jumppad:
0x0: {  	(pc) =	sbr.rel $0x88, $3  }
0x1: {  	(tag) =	ssettag $0x0;
	lr =	simm.s32 $0x1  }
0x2: {  	[smem:$0x3F9F] =	sst lr;
	_ =	strace $0xD0000000  }
0x3: {  	_ = 	snop  }
0x4: {  	_ = 	snop  }
0x5: {  	_ = 	snop  }
0x6: {  	_ = 	snop  }
0x7: {  	_ = 	snop  }
__scs_overlays_trampoline_lowered:
0x8: {  	[smem:$0x3FAE] =	sst s0  }
0x9: {  	[smem:$0x3FAF] =	sst s1  }
0xa: {  	[smem:$0x3FB0] =	sst s2  }
0xb: {  	[smem:$0x3FB1] =	sst s3  }
0xc: {  	[smem:$0x3FB2] =	sst s4  }
0xd: {  	[smem:$0x3FB3] =	sst s5  }
0xe: {  	[smem:$0x3FB4] =	sst s6  }
0xf: {  	[smem:$0x3FB5] =	sst s7  }
0x10: {  	[smem:$0x3FB6] =	sst s8  }
0x11: {  	[smem:$0x3FB7] =	sst s9;
	s0 =	simm.s32 @!p0 $0x0  }
0x12: {  	s1 =	sld [smem:$0x3F9D];
	s0 =	simm.s32 @p0 $0x1  }
0x13: {  	[smem:$0x3FB8] =	sst s0;
	s0 =	simm.s32 @!p1 $0x0  }
0x14: {  	s2 =	sld [smem:$0x3F9C];
	s0 =	simm.s32 @p1 $0x1  }
0x15: {  	[smem:$0x3FB9] =	sst s0;
	s0 =	simm.s32 @!p2 $0x0  }
0x16: {  	s3 =	sld [smem:$0x3FDB];
	s0 =	simm.s32 @p2 $0x1  }
0x17: {  	s4 =	simm.s32 $0x1BF5;
	[smem:$0x3FBB] =	sst s0  }
0x18: {  	s0 =	sld [smem:$0x3F9E];
	_ =	swait.ge [sflag:s4], $0x0  }
0x19: {  	s7 =	sld [smem:$0x3F9F]  }
0x1a: {  	s8 =	sadd.s32 $0xFFFFE003, lr  }
0x1b: {  	s9 =	sadd.s32 $0xFFFFFEF7, lr;
	s5 =	simm.s32 $0xFFFFFFFF;
	p2 =	slt.u32 s8, $0xFFFFF086  }
0x1c: {  	p1 =	slt.u32 s9, $0xF7A;
	s5 =	simm.s32 @!p2 $0x0  }
0x1d: {  	s5 =	simm.s32 @p1 $0x1;
	p0 =	seq.s32 s7, s2  }
0x1e: {  	s7 =	smul.u32 @!p0 $0xF7A, s2;
	p2 =	seq.s32 @!p0 s5, $0x0  }
0x1f: {  	s9 =	smul.u32 $0xF7A, s1;
	s8 =	simm.s32 @!p0 $0x1BF5;
	p2 =	por !p2, p0  }
0x20: {  	[sflag:s8] =	ssyncset.s32 @!p0 $0xFFFFF086;
	s6 =	sadd.s32 @!p0 s3, s7;
	s7 =	simm.s32 @!p0 $0x108  }
0x21: {  	s3 =	sadd.s32 s3, s9;
	s6 =	sadd.s32 @!p0 $0x88, s6;
	s7 =	simm.s32 @p2 $0x1082  }
0x22: {  	[simem:s7], [sflag:s8] =	dma.local @!p0 [hbm:s6], $0xF7A  }
0x23: {  	s9 =	sor.u32 $0xD0000000, s2;
	s6 =	simm.s32 $0x108;
	_ =	swait.ge @!p0 [sflag:s8], $0x0  }
0x24: {  	s3 =	sadd.s32 $0x88, s3;
	s6 =	simm.s32 @!p1 $0x1082;
	[sflag:s4] =	ssyncset.s32 $0xFFFFF086  }
0x25: {  	[simem:s6], [sflag:s4] =	dma.local [hbm:s3], $0xF7A  }
0x26: {  	[smem:$0x3F9F] =	sst s1;
	(tag) =	ssettag s2;
	_ =	strace s9  }
0x27: {  	s1 =	sld [smem:$0x3FAF]  }
0x28: {  	s2 =	sld [smem:$0x3FB0]  }
0x29: {  	s4 =	sld [smem:$0x3FB2]  }
0x2a: {  	p0 =	seq.s32 s5, $0x0;
	s5 =	sld [smem:$0x3FB3]  }
0x2b: {  	s6 =	sld [smem:$0x3FB4]  }
0x2c: {  	s7 =	sld [smem:$0x3FB5]  }
0x2d: {  	s3 =	simm.s32 $0x108;
	s8 =	sld [smem:$0x3FB6]  }
0x2e: {  	s3 =	simm.s32 @!p0 $0x1082;
	s9 =	sld [smem:$0x3FB7]  }
0x2f: {  	lr =	sadd.s32 s0, s3;
	s0 =	sld [smem:$0x3FAE]  }
0x30: {  	s3 =	sld [smem:$0x3FB1]  }
0x31: {  	[smem:$0x3FBA] =	sst s10  }
0x32: {  	s10 =	sld [smem:$0x3FB8];
	_ =	sdelay $0x3  }
0x33: {  	p0 =	seq.s32 s10, $0x1;
	s10 =	sld [smem:$0x3FBA];
	_ =	sdelay $0x3  }
0x34: {  	[smem:$0x3FBA] =	sst s10  }
0x35: {  	s10 =	sld [smem:$0x3FB9];
	_ =	sdelay $0x3  }
0x36: {  	p1 =	seq.s32 s10, $0x1;
	s10 =	sld [smem:$0x3FBA];
	_ =	sdelay $0x3  }
0x37: {  	[smem:$0x3FBA] =	sst s10  }
0x38: {  	s10 =	sld [smem:$0x3FBB]  }
0x39: {  	_ = 	snop;
	(pc) =	sbr.ind lr, $3  }
0x3a: {  	_ = 	snop  }
0x3b: {  	_ = 	snop  }
0x3c: {  	p2 =	seq.s32 s10, $0x1;
	s10 =	sld [smem:$0x3FBA]  }
0x3d: {  	_ =	shalt  }
0x3e: {  	_ =	shalt  }
0x3f: {  	_ =	shalt  }
0x40: {  	_ =	shalt  }
0x41: {  	_ =	shalt  }
0x42: {  	_ =	shalt  }
0x43: {  	_ =	shalt  }
0x44: {  	_ =	shalt  }
0x45: {  	_ =	shalt  }
0x46: {  	_ =	shalt  }
0x47: {  	_ =	shalt  }
0x48: {  	_ =	shalt  }
0x49: {  	_ =	shalt  }
0x4a: {  	_ =	shalt  }
0x4b: {  	_ =	shalt  }
0x4c: {  	_ =	shalt  }
0x4d: {  	_ =	shalt  }
0x4e: {  	_ =	shalt  }
0x4f: {  	_ =	shalt  }
0x50: {  	_ =	shalt  }
0x51: {  	_ =	shalt  }
0x52: {  	_ =	shalt  }
0x53: {  	_ =	shalt  }
0x54: {  	_ =	shalt  }
0x55: {  	_ =	shalt  }
0x56: {  	_ =	shalt  }
0x57: {  	_ =	shalt  }
0x58: {  	_ =	shalt  }
0x59: {  	_ =	shalt  }
0x5a: {  	_ =	shalt  }
0x5b: {  	_ =	shalt  }
0x5c: {  	_ =	shalt  }
0x5d: {  	_ =	shalt  }
0x5e: {  	_ =	shalt  }
0x5f: {  	_ =	shalt  }
0x60: {  	_ =	shalt  }
0x61: {  	_ =	shalt  }
0x62: {  	_ =	shalt  }
0x63: {  	_ =	shalt  }
0x64: {  	_ =	shalt  }
0x65: {  	_ =	shalt  }
0x66: {  	_ =	shalt  }
0x67: {  	_ =	shalt  }
0x68: {  	_ =	shalt  }
0x69: {  	_ =	shalt  }
0x6a: {  	_ =	shalt  }
0x6b: {  	_ =	shalt  }
0x6c: {  	_ =	shalt  }
0x6d: {  	_ =	shalt  }
0x6e: {  	_ =	shalt  }
0x6f: {  	_ =	shalt  }
0x70: {  	_ =	shalt  }
0x71: {  	_ =	shalt  }
0x72: {  	_ =	shalt  }
0x73: {  	_ =	shalt  }
0x74: {  	_ =	shalt  }
0x75: {  	_ =	shalt  }
0x76: {  	_ =	shalt  }
0x77: {  	_ =	shalt  }
0x78: {  	_ =	shalt  }
0x79: {  	_ =	shalt  }
0x7a: {  	_ =	shalt  }
0x7b: {  	_ =	shalt  }
0x7c: {  	_ =	shalt  }
0x7d: {  	_ =	shalt  }
0x7e: {  	_ =	shalt  }
0x7f: {  	_ =	shalt  }
0x80: {  	_ =	shalt  }
0x81: {  	_ =	shalt  }
0x82: {  	_ =	shalt  }
0x83: {  	_ =	shalt  }
0x84: {  	_ =	shalt  }
0x85: {  	_ =	shalt  }
0x86: {  	_ =	shalt  }
0x87: {  	_ =	shalt  }
.Lfunc_end0:
.L_simem_size_0:
called_computation.1_lowered:
.L_overlay_start_0:
0x88: {  	s2 =	sld [smem:$0x3FD9]  }
0x89: {  	s3 =	sld [smem:$0x3FFE];
	_ =	sdelay $0x1  }
0x8a: {  	s1 =	srdreg.scid  }
0x8b: {  	s0 =	sand.u32 $0x1, s1  }
0x8c: {  	s17 =	sshll.u32 s0, $0xA;
	s2 =	sadd.s32 s3, s2  }
0x8d: {  	s2 =	sadd.s32 s2, s17  }
0x8e: {  	[smem:$0x3FC6] =	sst s2  }
0x8f: {  	_ = 	snop  }
0x90: {  	(tm) =	ssettm $0x1  }
0x91: {  	s18 =	sld [smem:$0x3FFB];
	_ =	sdelay $0x3  }
0x92: {  	_ =	strace s18  }
0x93: {  	s2 =	sld [smem:$0x3FFC];
	_ =	sdelay $0x3  }
0x94: {  	_ =	strace s2  }
0x95: {  	s2 =	sld [smem:$0x3FFD];
	_ =	sdelay $0x3  }
0x96: {  	_ =	strace s2  }
0x97: {  	_ =	strace $0x8FFFFFFF  }
0x98: {  	s19 =	sld [smem:$0x3FDB];
	_ =	sdelay $0x1  }
0x99: {  	s20 =	simm.s32 $_scs_section_size  }
0x9a: {  	s4 =	simm.s32 $_size__tile_overlayer_lowered;
	s5 =	simm.s32 $_tile_overlayer_lowered  }
0x9b: {  	s6 =	simm.s32 $0x1BFF;
	s21 =	sshll.u32 s5, $0x1;
	s3 =	sadd.s32 s20, s19  }
0x9c: {  	s22 =	simm.s32 $0x0;
	s4 =	sshll.u32 s4, $0x1;
	s5 =	sadd.s32 s21, s3  }
0x9d: {  	[timem:s22], [sflag:s6] =	dma.local [hbm:s5], s4  }
0x9e: {  	_ =	swait.ge [sflag:s6], s4  }
0x9f: {  	s4 =	ssub.s32 $0x0, s4;
	[sflag:s6] =	ssyncset.done $0x0  }
0xa0: {  	[sflag:s6] =	ssyncadd.s32 s4;
	_ =	sdelay $0x1  }
0xa1: {  	s23 =	simm.s32 $0x1B8B  }
0xa2: {  	_ =	swait.ge [sflag:s23], $0x1  }
0xa3: {  	[sflag:s23] =	ssyncset.done $0x0  }
0xa4: {  	[sflag:s23] =	ssyncadd.s32 $0xFFFFFFFF  }
0xa5: {  	s4 =	sld [smem:$0x0]  }
0xa6: {  	s5 =	sand.u32 $0xFFFFFFFE, s1  }
0xa7: {  	p0 =	sne.s32 s1, s5  }
0xa8: {  	s5 =	sshll.u32 @p0 s5, $0xE  }
0xa9: {  	s5 =	sadd.s32 @p0 $0x11B8D, s5;
	s6 =	sshll.u32 @p0 s4, $0x11  }
0xaa: {  	s5 =	sor.u32 @p0 s6, s5  }
0xab: {  	[sflag:s5] =	ssyncadd.remote.s32 @p0 $0x1;
	_ =	sdelay $0x1  }
0xac: {  	s5 =	simm.s32 @p0 $0x1B8D  }
0xad: {  	_ =	swait.eq @p0 [sflag:s5], $0x1  }
0xae: {  	[sflag:s5] =	ssyncadd.s32 @p0 $0xFFFFFFFF  }
0xaf: {  	s6 =	sshll.u32 @!p0 s1, $0xE  }
0xb0: {  	s6 =	sor.u32 @!p0 $0x4000, s6;
	s5 =	simm.s32 @!p0 $0x1B8D  }
0xb1: {  	s4 =	sshll.u32 @!p0 s4, $0x11;
	s6 =	sadd.s32 @!p0 $0x11B8D, s6;
	_ =	swait.eq @!p0 [sflag:s5], $0x1  }
0xb2: {  	s4 =	sor.u32 @!p0 s4, s6;
	[sflag:s5] =	ssyncadd.s32 @!p0 $0xFFFFFFFF  }
0xb3: {  	s25 =	simm.s32 $0x1B8E;
	s24 =	sld [smem:$0x3FFE];
	[sflag:s4] =	ssyncadd.remote.s32 @!p0 $0x1  }
0xb4: {  	s26 =	simm.s32 $execute0_lowered;
	[smem:$0x3FD2] =	sst s25  }
0xb5: {  	s5 =	sshll.u32 s26, $0x1;
	_ =	strace $0x80000049;
	[dreg:$0x1] =	wrdreg $0xFFFFFFFF  }
0xb6: {  	s28 =	simm.s32 $_size_execute0_lowered;
	s3 =	sadd.s32 s3, s5;
	[dreg:$0x0] =	wrdreg $0x0  }
0xb7: {  	s5 =	sshll.u32 s28, $0x1;
	[dreg:$0x2] =	wrdreg s3  }
0xb8: {  	[dreg:$0x3] =	wrdreg s5  }
0xb9: {  	[dreg:$0x4] =	wrdreg $0xC0  }
0xba: {  	_ =	task [dreg:s22], $0x5FFFF  }
0xbb: {  	[dreg:$0x1] =	wrdreg $0xFFFFFFFF  }
0xbc: {  	[dreg:$0x0] =	wrdreg $0x60  }
0xbd: {  	[dreg:$0x2] =	wrdreg s24  }
0xbe: {  	[dreg:$0x3] =	wrdreg $0xA  }
0xbf: {  	_ =	task.clear_ibuf [dreg:s22], $0x4FFFF;
	_ =	strace $0x90000049  }
0xc0: {  	s29 =	simm.s32 $0xA;
	_ =	strace $0x8000004B  }
0xc1: {  	_ =	swait.ge [sflag:s29], $0x1  }
0xc2: {  	[sflag:s29] =	ssyncadd.s32 $0xFFFFFFFF  }
0xc3: {  	_ =	strace $0x9000004B  }
0xc4: {  	_ =	sfence  }
0xc5: {  	s30 =	sld [smem:$0x0];
	_ =	sdelay $0x2  }
0xc6: {  	s31 =	sshll.u32 s1, $0xD;
	s1 =	sshrl.u32 s1, $0x2  }
0xc7: {  	s4 =	sand.u32 $0x4000, s31;
	s1 =	sadd.s32 s1, s30  }
0xc8: {  	s0 =	sor.u32 s4, s0;
	s1 =	sshll.u32 s1, $0x11  }
0xc9: {  	s0 =	sor.u32 s1, s0  }
0xca: {  	s0 =	sadd.s32 $0x8F2B, s0  }
0xcb: {  	[sflag:s0] =	ssyncadd.remote.s32 $0x1  }
0xcc: {  	_ =	sfence.sel $0xFFFF  }
0xcd: {  	[dreg:$0x0] =	wrdreg $0xFFFFFFFF;
	(pc) =	sbr.abs _section_cstart, $3  }
0xce: {  	[dreg:$0x1] =	wrdreg $0xFFFFFFFF  }
0xcf: {  	_ =	task.clear_ibuf [dreg:s22], $0x2FFFF;
	_ =	strace $0x9FFFFFFF  }
0xd0: {  	(tm) =	ssettm $0x7FFFFFFF  }
0xd1: {  	_ =	shalt  }
tec
execute0_lowered:
.L_overlay_start_1:
0x0: {  	(tag) =	ssettag $0x1  }
0x1: {  	s0 =	srdreg.scid;
	s5 =	rddreg [dreg:$0x0]  }
0x2: {  	s1 =	stileid.u32;
	s6 =	simm.s32 $0x1;
	s9 =	simm.s32 $0x1  }
0x3: {  	s10 =	simm.s32 $0x3;
	s13 =	simm.s32 $0x0;
	s2 =	sshll.u32 s0, $0xC  }
0x4: {  	s12 =	simm.s32 $0x0;
	s3 =	sshll.u32 s1, $0xD;
	s2 =	sand.u32 $0x1000, s2  }
0x5: {  	s0 =	rddreg [dreg:$0x1];
	_ =	strace $0x8000004A;
	s2 =	sor.u32 s3, s2  }
0x6: {  	s4 =	sadd.s32 $0x8000, s5;
	[sflag:s6] =	ssyncpa.u1 $0x0;
	s8 =	ssub.s32 $0x40000, s2  }
.Ltmp0:
0x7: {  	s3 =	sadd.s32 $0x18000, s5;
	s7 =	sand.u32 $0x1F000, s8;
	(pc) =	sbr.rel .LBB2_1-.Ltmp0, $4  }
0x8: {  	s5 =	sadd.s32 $0x20000, s5;
	s11 =	smov.u32 s2;
	p0 =	sne.s32 s7, $0x0  }
0x9: {  	s8 =	sshrl.u32 s8, $0x11;
	s7 =	simm.s32 $0x2;
	s9 =	simm.s32 @!p0 $0x0  }
0xa: {  	[sflag:s7] =	ssyncpa.u1 $0x0;
	p0 =	por $0x0, $0x0;
	s8 =	sadd.s32 s9, s8  }
0xb: {  	vm0 =	vmmov $0xffff;
	[sflag:s10] =	ssyncpa.u1 $0x0;
	s10 =	simm.s32 $0x0;
	s9 =	sadd.s32 $0x1, s8  }
.LBB2_4:
0xc: {  	v2 =	vnsel vm1, $0x0, v2  }
0xd: {  	vm1 =	vgt.s32 v0, $0x0;
	v2 =	vmin.u32 v2, $0x3FFFF  }
0xe: {  	v0 =	vnsel vm1, $0x0, v0  }
0xf: {  	v0 =	vmin.u32 v0, $0x3FFFF  }
0x10: {  	[tilespmem:s15], [sflag:$0x1] =	stream.indirect_vreg.gather [hbm4b:s3+s10], $0x1, v1, vm0, $0x4038;
	[tilespmem:$0x4000] =	vst v63  }
0x11: {  	(ifvalue) =	ssetifvalue $0x7FFFFFFF  }
0x12: {  	[tilespmem:s16], [sflag:$0x1] =	stream.indirect_vreg.gather [hbm4b:s3+s10], $0x1, v2, vm0, $0x4038;
	[tilespmem:$0x4000] =	vst v63  }
0x13: {  	s29 =	sadd.s32 $0x10, s16;
	(ifvalue) =	ssetifvalue $0x7FFFFFFF  }
0x14: {  	[tilespmem:s29], [sflag:$0x1] =	stream.indirect_vreg.gather [hbm4b:s3+s10], $0x1, v0, vm0, $0x4038;
	[tilespmem:$0x4000] =	vst v63  }
0x15: {  	_ =	swait.ge [sflag:s6], $0x1000  }
0x16: {  	s30 =	sshrl.u32 s13, $0x3;
	[sflag:s6] =	ssyncset.done $0x0  }
0x17: {  	s31 =	sand.u32 $0x7, s13;
	s15 =	sadd.s32 s5, s30;
	[sflag:s6] =	ssyncadd.s32 $0xFFFFF000  }
0x18: {  	[hbm4b:s15+s31] =	stream.linear.scatter [tilespmem:s14], [sflag:$0x3], $0x1000, $0x38;
	[tilespmem:$0x4000] =	vst v63  }
.LBB2_5:
0x19: {  	s15 =	sadd.s32 $0x20000, s11  }
0x1a: {  	p2 =	sgt.s32 s15, $0x3FFFF  }
0x1b: {  	s15 =	smov.u32 @p2 s2;
	p2 =	sne.s32 s12, s9  }
.Ltmp1:
0x1c: {  	p1 =	slt.u32 s12, $0x2;
	(pc) =	sbr.rel @!p2 .LBB2_6-.Ltmp1, $4  }
0x1d: {  	s14 =	simm.s32 @!p1 $0x3  }
0x1e: {  	s16 =	sadd.s32 $0x1, s12;
	_ =	swait.ge @!p1 [sflag:s14], $0x1000  }
0x1f: {  	s13 =	smov.u32 s11;
	p0 =	por !p0, !p0;
	[sflag:s14] =	ssyncset.done @!p1 $0x0  }
0x20: {  	s12 =	smov.u32 s16;
	s11 =	smov.u32 s15;
	[sflag:s14] =	ssyncadd.s32 @!p1 $0xFFFFF000  }
.LBB2_1:
0x21: {  	p1 =	sge.u32 s12, s8  }
0x22: {  	s14 =	sxor.u32 @!p1 $0xFFFFFFFF, s12  }
0x23: {  	s31 =	sadd.s32 $0xFFFFFFFF, s12;
	s15 =	sshrl.u32 @!p1 s11, $0x3;
	s14 =	sshll.u32 @!p1 s14, $0xC  }
0x24: {  	s16 =	sand.u32 @!p1 $0x7, s11;
	s15 =	sadd.s32 @!p1 s4, s15;
	s14 =	sand.u32 @!p1 $0x1000, s14  }
0x25: {  	[tilespmem:s14], [sflag:$0x2] =	stream.linear.gather @!p1 [hbm4b:s15+s16], $0x1000, $0x38;
	[tilespmem:$0x4000] =	vst v63  }
0x26: {  	p1 =	sge.u32 s31, s8  }
.Ltmp2:
0x27: {  	_ = 	snop;
	(pc) =	sbr.rel @p1 .LBB2_5-.Ltmp2, $1  }
0x28: {  	_ =	sdelay $0x3  }
0x29: {  	s14 =	simm.s32 $0x1  }
0x2a: {  	_ =	swait.ge [sflag:s7], $0x1000;
	s14 =	simm.s32 @!p0 $0x0  }
0x2b: {  	[sflag:s7] =	ssyncset.done $0x0;
	s14 =	sshll.u32 s14, $0xC  }
0x2c: {  	[sflag:s7] =	ssyncadd.s32 $0xFFFFF000;
	(ifvalue) =	ssetifvalue $0x7FFFFFFF;
	v0 =	vld.msk [tilespmem:s14+$0x0 ss:$0x1], $0xffff;
	_ =	sdelay $0x4  }
0x2d: {  	s15 =	sadd.s32 $0x10, s14;
	vm1 =	vgt.s32 v0, $0x0  }
0x2e: {  	v2 =	vld.msk [tilespmem:s15+$0x0 ss:$0x1], $0xffff;
	v1 =	vnsel vm1, $0x0, v0  }
0x2f: {  	v1 =	vmin.u32 v1, $0x3FFFF;
	_ =	sdelay $0x1  }
0x30: {  	s16 =	sshll.u32 s12, $0xC;
	s18 =	simm.s32 $0x20  }
0x31: {  	s16 =	sand.u32 $0x1000, s16;
	s17 =	sadd.s32 $0x10, s15;
	s15 =	sor.u32 $0x2000, s14  }
0x32: {  	s14 =	sor.u32 $0x2000, s16;
	s16 =	sadd.s32 $0x10, s15;
	v0 =	vld.msk [tilespmem:s17+$0x0 ss:$0x1], $0xffff;
	vm1 =	vgt.s32 v2, $0x0;
	(ifvalue) =	ssetifvalue $0x7FFFFFFF  }
.LBB2_3:
0x33: {  	[tilespmem:s15], [sflag:$0x1] =	stream.indirect_vreg.gather [hbm4b:s3+s10], $0x1, v1, vm0, $0x4038;
	[tilespmem:$0x4000] =	vst v63  }
0x34: {  	s18 =	sadd.s32 $0x10, s18  }
0x35: {  	v2 =	vnsel vm1, $0x0, v2;
	p1 =	slt.u32 s18, $0xFF0  }
.Ltmp3:
0x36: {  	s15 =	smov.u32 s16;
	v1 =	vmin.u32 v2, $0x3FFFF;
	(pc) =	sbr.rel @p1 .LBB2_3-.Ltmp3, $3  }
0x37: {  	_ =	sdelay $0x1  }
0x38: {  	s17 =	sadd.s32 $0x10, s17  }
0x39: {  	vm1 =	vgt.s32 v0, $0x0;
	s16 =	sadd.s32 $0x10, s16;
	v2 =	vmov v0;
	(ifvalue) =	ssetifvalue $0x7FFFFFFF;
	v0 =	vld.msk [tilespmem:s17+$0x0 ss:$0x1], $0xffff  }
.Ltmp4:
0x3a: {  	_ = 	snop;
	(pc) =	sbr.rel .LBB2_4-.Ltmp4, $1  }
0x3b: {  	_ =	sdelay $0x3  }
.LBB2_6:
0x3c: {  	_ =	sfence.sel $0x180000  }
0x3d: {  	s2 =	simm.s32 $0x2;
	[bflag:$0x0] =	sbarrier.arrive $0xFFFF  }
0x3e: {  	s30 =	simm.s32 $0x3;
	[sflag:s2] =	ssyncpa.u1 $0x1  }
0x3f: {  	s31 =	simm.s32 $0x1;
	[sflag:s30] =	ssyncpa.u1 $0x1  }
0x40: {  	[sflag:s31] =	ssyncpa.u1 $0x1  }
0x41: {  	p0 =	sne.s32 s1, $0x0;
	_ =	strace $0x9000004A  }
0x42: {  	s0 =	sadd.s32 @!p0 $0x100000, s0;
	[bflag:$0x2] =	sbarrier.arrive $0xFFFF  }
0x43: {  	[sflag:s0] =	ssyncadd.tile.s32 @!p0 $0x1;
	_ =	shalt  }
.Lfunc_end2:
_tile_overlayer_lowered:
.L_overlay_start_2:
0x44: {  	(tag) =	ssettag $0x2  }
0x45: {  	s0 =	rddreg [dreg:$0x0];
	s2 =	stileid.u32  }
0x46: {  	s1 =	rddreg [dreg:$0x1];
	p0 =	sne.s32 s2, $0x0  }
0x47: {  	s3 =	rddreg [dreg:$0x2];
	[bflag:$0x3] =	sbarrier.arrive $0xFFFF;
	s2 =	simm.s32 @!p0 $0x1C01  }
0x48: {  	[timem:s3], [sflag:s2] =	dma.local @!p0 [hbm:s0], s1  }
0x49: {  	s0 =	simm.s32 @!p0 $0x1  }
0x4a: {  	_ =	swait.ge @!p0 [sflag:s0], s1  }
0x4b: {  	s1 =	ssub.s32 @!p0 $0x0, s1;
	[sflag:s0] =	ssyncset.done @!p0 $0x0  }
0x4c: {  	[sflag:s0] =	ssyncadd.s32 @!p0 s1  }
0x4d: {  	[bflag:$0x3] =	sbarrier.arrive $0xFFFF  }
0x4e: {  	_ =	shalt  }

// kernel: gather_offload_async_start
scs
__scs_entry_jumppad:
0x0: {  	(pc) =	sbr.rel $0x88, $3  }
0x1: {  	(tag) =	ssettag $0x0;
	lr =	simm.s32 $0x1  }
0x2: {  	[smem:$0x3F9F] =	sst lr;
	_ =	strace $0xD0000000  }
0x3: {  	_ = 	snop  }
0x4: {  	_ = 	snop  }
0x5: {  	_ = 	snop  }
0x6: {  	_ = 	snop  }
0x7: {  	_ = 	snop  }
__scs_overlays_trampoline_lowered:
0x8: {  	[smem:$0x3FAE] =	sst s0  }
0x9: {  	[smem:$0x3FAF] =	sst s1  }
0xa: {  	[smem:$0x3FB0] =	sst s2  }
0xb: {  	[smem:$0x3FB1] =	sst s3  }
0xc: {  	[smem:$0x3FB2] =	sst s4  }
0xd: {  	[smem:$0x3FB3] =	sst s5  }
0xe: {  	[smem:$0x3FB4] =	sst s6  }
0xf: {  	[smem:$0x3FB5] =	sst s7  }
0x10: {  	[smem:$0x3FB6] =	sst s8  }
0x11: {  	[smem:$0x3FB7] =	sst s9;
	s0 =	simm.s32 @!p0 $0x0  }
0x12: {  	s1 =	sld [smem:$0x3F9D];
	s0 =	simm.s32 @p0 $0x1  }
0x13: {  	[smem:$0x3FB8] =	sst s0;
	s0 =	simm.s32 @!p1 $0x0  }
0x14: {  	s2 =	sld [smem:$0x3F9C];
	s0 =	simm.s32 @p1 $0x1  }
0x15: {  	[smem:$0x3FB9] =	sst s0;
	s0 =	simm.s32 @!p2 $0x0  }
0x16: {  	s3 =	sld [smem:$0x3FDB];
	s0 =	simm.s32 @p2 $0x1  }
0x17: {  	s4 =	simm.s32 $0x1BF5;
	[smem:$0x3FBB] =	sst s0  }
0x18: {  	s0 =	sld [smem:$0x3F9E];
	_ =	swait.ge [sflag:s4], $0x0  }
0x19: {  	s7 =	sld [smem:$0x3F9F]  }
0x1a: {  	s8 =	sadd.s32 $0xFFFFE003, lr  }
0x1b: {  	s9 =	sadd.s32 $0xFFFFFEF7, lr;
	s5 =	simm.s32 $0xFFFFFFFF;
	p2 =	slt.u32 s8, $0xFFFFF086  }
0x1c: {  	p1 =	slt.u32 s9, $0xF7A;
	s5 =	simm.s32 @!p2 $0x0  }
0x1d: {  	s5 =	simm.s32 @p1 $0x1;
	p0 =	seq.s32 s7, s2  }
0x1e: {  	s7 =	smul.u32 @!p0 $0xF7A, s2;
	p2 =	seq.s32 @!p0 s5, $0x0  }
0x1f: {  	s9 =	smul.u32 $0xF7A, s1;
	s8 =	simm.s32 @!p0 $0x1BF5;
	p2 =	por !p2, p0  }
0x20: {  	[sflag:s8] =	ssyncset.s32 @!p0 $0xFFFFF086;
	s6 =	sadd.s32 @!p0 s3, s7;
	s7 =	simm.s32 @!p0 $0x108  }
0x21: {  	s3 =	sadd.s32 s3, s9;
	s6 =	sadd.s32 @!p0 $0x88, s6;
	s7 =	simm.s32 @p2 $0x1082  }
0x22: {  	[simem:s7], [sflag:s8] =	dma.local @!p0 [hbm:s6], $0xF7A  }
0x23: {  	s9 =	sor.u32 $0xD0000000, s2;
	s6 =	simm.s32 $0x108;
	_ =	swait.ge @!p0 [sflag:s8], $0x0  }
0x24: {  	s3 =	sadd.s32 $0x88, s3;
	s6 =	simm.s32 @!p1 $0x1082;
	[sflag:s4] =	ssyncset.s32 $0xFFFFF086  }
0x25: {  	[simem:s6], [sflag:s4] =	dma.local [hbm:s3], $0xF7A  }
0x26: {  	[smem:$0x3F9F] =	sst s1;
	(tag) =	ssettag s2;
	_ =	strace s9  }
0x27: {  	s1 =	sld [smem:$0x3FAF]  }
0x28: {  	s2 =	sld [smem:$0x3FB0]  }
0x29: {  	s4 =	sld [smem:$0x3FB2]  }
0x2a: {  	p0 =	seq.s32 s5, $0x0;
	s5 =	sld [smem:$0x3FB3]  }
0x2b: {  	s6 =	sld [smem:$0x3FB4]  }
0x2c: {  	s7 =	sld [smem:$0x3FB5]  }
0x2d: {  	s3 =	simm.s32 $0x108;
	s8 =	sld [smem:$0x3FB6]  }
0x2e: {  	s3 =	simm.s32 @!p0 $0x1082;
	s9 =	sld [smem:$0x3FB7]  }
0x2f: {  	lr =	sadd.s32 s0, s3;
	s0 =	sld [smem:$0x3FAE]  }
0x30: {  	s3 =	sld [smem:$0x3FB1]  }
0x31: {  	[smem:$0x3FBA] =	sst s10  }
0x32: {  	s10 =	sld [smem:$0x3FB8];
	_ =	sdelay $0x3  }
0x33: {  	p0 =	seq.s32 s10, $0x1;
	s10 =	sld [smem:$0x3FBA];
	_ =	sdelay $0x3  }
0x34: {  	[smem:$0x3FBA] =	sst s10  }
0x35: {  	s10 =	sld [smem:$0x3FB9];
	_ =	sdelay $0x3  }
0x36: {  	p1 =	seq.s32 s10, $0x1;
	s10 =	sld [smem:$0x3FBA];
	_ =	sdelay $0x3  }
0x37: {  	[smem:$0x3FBA] =	sst s10  }
0x38: {  	s10 =	sld [smem:$0x3FBB]  }
0x39: {  	_ = 	snop;
	(pc) =	sbr.ind lr, $3  }
0x3a: {  	_ = 	snop  }
0x3b: {  	_ = 	snop  }
0x3c: {  	p2 =	seq.s32 s10, $0x1;
	s10 =	sld [smem:$0x3FBA]  }
0x3d: {  	_ =	shalt  }
0x3e: {  	_ =	shalt  }
0x3f: {  	_ =	shalt  }
0x40: {  	_ =	shalt  }
0x41: {  	_ =	shalt  }
0x42: {  	_ =	shalt  }
0x43: {  	_ =	shalt  }
0x44: {  	_ =	shalt  }
0x45: {  	_ =	shalt  }
0x46: {  	_ =	shalt  }
0x47: {  	_ =	shalt  }
0x48: {  	_ =	shalt  }
0x49: {  	_ =	shalt  }
0x4a: {  	_ =	shalt  }
0x4b: {  	_ =	shalt  }
0x4c: {  	_ =	shalt  }
0x4d: {  	_ =	shalt  }
0x4e: {  	_ =	shalt  }
0x4f: {  	_ =	shalt  }
0x50: {  	_ =	shalt  }
0x51: {  	_ =	shalt  }
0x52: {  	_ =	shalt  }
0x53: {  	_ =	shalt  }
0x54: {  	_ =	shalt  }
0x55: {  	_ =	shalt  }
0x56: {  	_ =	shalt  }
0x57: {  	_ =	shalt  }
0x58: {  	_ =	shalt  }
0x59: {  	_ =	shalt  }
0x5a: {  	_ =	shalt  }
0x5b: {  	_ =	shalt  }
0x5c: {  	_ =	shalt  }
0x5d: {  	_ =	shalt  }
0x5e: {  	_ =	shalt  }
0x5f: {  	_ =	shalt  }
0x60: {  	_ =	shalt  }
0x61: {  	_ =	shalt  }
0x62: {  	_ =	shalt  }
0x63: {  	_ =	shalt  }
0x64: {  	_ =	shalt  }
0x65: {  	_ =	shalt  }
0x66: {  	_ =	shalt  }
0x67: {  	_ =	shalt  }
0x68: {  	_ =	shalt  }
0x69: {  	_ =	shalt  }
0x6a: {  	_ =	shalt  }
0x6b: {  	_ =	shalt  }
0x6c: {  	_ =	shalt  }
0x6d: {  	_ =	shalt  }
0x6e: {  	_ =	shalt  }
0x6f: {  	_ =	shalt  }
0x70: {  	_ =	shalt  }
0x71: {  	_ =	shalt  }
0x72: {  	_ =	shalt  }
0x73: {  	_ =	shalt  }
0x74: {  	_ =	shalt  }
0x75: {  	_ =	shalt  }
0x76: {  	_ =	shalt  }
0x77: {  	_ =	shalt  }
0x78: {  	_ =	shalt  }
0x79: {  	_ =	shalt  }
0x7a: {  	_ =	shalt  }
0x7b: {  	_ =	shalt  }
0x7c: {  	_ =	shalt  }
0x7d: {  	_ =	shalt  }
0x7e: {  	_ =	shalt  }
0x7f: {  	_ =	shalt  }
0x80: {  	_ =	shalt  }
0x81: {  	_ =	shalt  }
0x82: {  	_ =	shalt  }
0x83: {  	_ =	shalt  }
0x84: {  	_ =	shalt  }
0x85: {  	_ =	shalt  }
0x86: {  	_ =	shalt  }
0x87: {  	_ =	shalt  }
.Lfunc_end0:
.L_simem_size_0:
called_computation_lowered:
.L_overlay_start_0:
0x88: {  	s2 =	sld [smem:$0x3FD9]  }
0x89: {  	s3 =	sld [smem:$0x3FFE];
	_ =	sdelay $0x1  }
0x8a: {  	s1 =	srdreg.scid  }
0x8b: {  	s0 =	sand.u32 $0x1, s1  }
0x8c: {  	s16 =	sshll.u32 s0, $0xA;
	s2 =	sadd.s32 s3, s2  }
0x8d: {  	s2 =	sadd.s32 s2, s16  }
0x8e: {  	[smem:$0x3FC6] =	sst s2  }
0x8f: {  	_ = 	snop  }
0x90: {  	(tm) =	ssettm $0x1  }
0x91: {  	s17 =	sld [smem:$0x3FFB];
	_ =	sdelay $0x3  }
0x92: {  	_ =	strace s17  }
0x93: {  	s2 =	sld [smem:$0x3FFC];
	_ =	sdelay $0x3  }
0x94: {  	_ =	strace s2  }
0x95: {  	s2 =	sld [smem:$0x3FFD];
	_ =	sdelay $0x3  }
0x96: {  	_ =	strace s2  }
0x97: {  	_ =	strace $0x8FFFFFFF  }
0x98: {  	s18 =	sld [smem:$0x3FDB];
	_ =	sdelay $0x1  }
0x99: {  	s19 =	simm.s32 $_scs_section_size  }
0x9a: {  	s4 =	simm.s32 $_size__tile_overlayer_lowered;
	s5 =	simm.s32 $_tile_overlayer_lowered  }
0x9b: {  	s22 =	simm.s32 $0x1BFF;
	s21 =	sshll.u32 s5, $0x1;
	s2 =	sadd.s32 s19, s18  }
0x9c: {  	s6 =	simm.s32 $0x0;
	s20 =	sshll.u32 s4, $0x1;
	s4 =	sadd.s32 s21, s2  }
0x9d: {  	[timem:s6], [sflag:s22] =	dma.local [hbm:s4], s20  }
0x9e: {  	_ =	swait.ge [sflag:s22], s20  }
0x9f: {  	s3 =	ssub.s32 $0x0, s20;
	[sflag:s22] =	ssyncset.done $0x0  }
0xa0: {  	[sflag:s22] =	ssyncadd.s32 s3;
	_ =	sdelay $0x1  }
0xa1: {  	s23 =	simm.s32 $0x1B8B  }
0xa2: {  	_ =	swait.ge [sflag:s23], $0x1  }
0xa3: {  	[sflag:s23] =	ssyncset.done $0x0  }
0xa4: {  	s25 =	simm.s32 $0x1B8E;
	s24 =	sld [smem:$0x3FFE];
	[sflag:s23] =	ssyncadd.s32 $0xFFFFFFFF  }
0xa5: {  	s26 =	simm.s32 $execute0_lowered;
	[smem:$0x3FD2] =	sst s25  }
0xa6: {  	s4 =	sshll.u32 s26, $0x1;
	_ =	strace $0x80000046;
	[dreg:$0x1] =	wrdreg $0xFFFFFFFF  }
0xa7: {  	s28 =	simm.s32 $_size_execute0_lowered;
	s2 =	sadd.s32 s2, s4;
	[dreg:$0x0] =	wrdreg $0x0  }
0xa8: {  	s4 =	sshll.u32 s28, $0x1;
	[dreg:$0x2] =	wrdreg s2  }
0xa9: {  	[dreg:$0x3] =	wrdreg s4  }
0xaa: {  	[dreg:$0x4] =	wrdreg $0xC0  }
0xab: {  	_ =	task [dreg:s6], $0x5FFFF  }
0xac: {  	[dreg:$0x1] =	wrdreg $0xFFFFFFFF  }
0xad: {  	[dreg:$0x0] =	wrdreg $0x60  }
0xae: {  	[dreg:$0x2] =	wrdreg s24  }
0xaf: {  	[dreg:$0x3] =	wrdreg $0x9  }
0xb0: {  	_ =	task.clear_ibuf [dreg:s6], $0x4FFFF;
	_ =	strace $0x90000046  }
0xb1: {  	s29 =	simm.s32 $0x9;
	_ =	strace $0x80000048  }
0xb2: {  	_ =	swait.ge [sflag:s29], $0x1  }
0xb3: {  	[sflag:s29] =	ssyncadd.s32 $0xFFFFFFFF  }
0xb4: {  	_ =	strace $0x90000048  }
0xb5: {  	_ =	sfence  }
0xb6: {  	s30 =	sld [smem:$0x0];
	_ =	sdelay $0x2  }
0xb7: {  	s31 =	sshll.u32 s1, $0xD;
	s1 =	sshrl.u32 s1, $0x2  }
0xb8: {  	s3 =	sand.u32 $0x4000, s31;
	s1 =	sadd.s32 s1, s30  }
0xb9: {  	s0 =	sor.u32 s3, s0;
	s1 =	sshll.u32 s1, $0x11  }
0xba: {  	s0 =	sor.u32 s1, s0  }
0xbb: {  	s0 =	sadd.s32 $0x8F2B, s0  }
0xbc: {  	[sflag:s0] =	ssyncadd.remote.s32 $0x1  }
0xbd: {  	_ =	sfence.sel $0xFFFF  }
0xbe: {  	[dreg:$0x0] =	wrdreg $0xFFFFFFFF;
	(pc) =	sbr.abs _section_cstart, $3  }
0xbf: {  	[dreg:$0x1] =	wrdreg $0xFFFFFFFF  }
0xc0: {  	_ =	task.clear_ibuf [dreg:s6], $0x2FFFF;
	_ =	strace $0x9FFFFFFF  }
0xc1: {  	(tm) =	ssettm $0x7FFFFFFF  }
tec
execute0_lowered:
.L_overlay_start_1:
0x0: {  	(tag) =	ssettag $0x1  }
0x1: {  	s1 =	srdreg.scid  }
0x2: {  	s0 =	stileid.u32;
	s2 =	rddreg [dreg:$0x0];
	s6 =	simm.s32 $0x1  }
0x3: {  	s9 =	simm.s32 $0x1;
	s10 =	simm.s32 $0x3;
	s1 =	sshll.u32 s1, $0xC  }
0x4: {  	s13 =	simm.s32 $0x0;
	s3 =	sshll.u32 s0, $0xD;
	s4 =	sand.u32 $0x1000, s1  }
0x5: {  	s12 =	simm.s32 $0x0;
	s5 =	sadd.s32 $0x10000, s2;
	s3 =	sor.u32 s3, s4  }
0x6: {  	s1 =	rddreg [dreg:$0x1];
	_ =	strace $0x80000047;
	s8 =	ssub.s32 $0x40000, s3  }
.Ltmp0:
0x7: {  	s4 =	sadd.s32 $0x8000, s2;
	s7 =	sand.u32 $0x1F000, s8;
	(pc) =	sbr.rel .LBB2_1-.Ltmp0, $4  }
0x8: {  	[sflag:s6] =	ssyncpa.u1 $0x0;
	s11 =	smov.u32 s3;
	p0 =	sne.s32 s7, $0x0  }
0x9: {  	s8 =	sshrl.u32 s8, $0x11;
	s7 =	simm.s32 $0x2;
	s9 =	simm.s32 @!p0 $0x0  }
0xa: {  	[sflag:s7] =	ssyncpa.u1 $0x0;
	p0 =	por $0x0, $0x0;
	s8 =	sadd.s32 s9, s8  }
0xb: {  	vm0 =	vmmov $0xffff;
	[sflag:s10] =	ssyncpa.u1 $0x0;
	s10 =	simm.s32 $0x0;
	s9 =	sadd.s32 $0x1, s8  }
.LBB2_4:
0xc: {  	v2 =	vnsel vm1, $0x0, v2  }
0xd: {  	vm1 =	vgt.s32 v0, $0x0;
	v2 =	vmin.u32 v2, $0x3FFFF  }
0xe: {  	v0 =	vnsel vm1, $0x0, v0  }
0xf: {  	v0 =	vmin.u32 v0, $0x3FFFF  }
0x10: {  	[tilespmem:s15], [sflag:$0x1] =	stream.indirect_vreg.gather [hbm4b:s2+s10], $0x1, v1, vm0, $0x4038;
	[tilespmem:$0x4000] =	vst v63  }
0x11: {  	(ifvalue) =	ssetifvalue $0x7FFFFFFF  }
0x12: {  	[tilespmem:s16], [sflag:$0x1] =	stream.indirect_vreg.gather [hbm4b:s2+s10], $0x1, v2, vm0, $0x4038;
	[tilespmem:$0x4000] =	vst v63  }
0x13: {  	s29 =	sadd.s32 $0x10, s16;
	(ifvalue) =	ssetifvalue $0x7FFFFFFF  }
0x14: {  	[tilespmem:s29], [sflag:$0x1] =	stream.indirect_vreg.gather [hbm4b:s2+s10], $0x1, v0, vm0, $0x4038;
	[tilespmem:$0x4000] =	vst v63  }
0x15: {  	_ =	swait.ge [sflag:s6], $0x1000  }
0x16: {  	s30 =	sshrl.u32 s13, $0x3;
	[sflag:s6] =	ssyncset.done $0x0  }
0x17: {  	s31 =	sand.u32 $0x7, s13;
	s15 =	sadd.s32 s5, s30;
	[sflag:s6] =	ssyncadd.s32 $0xFFFFF000  }
0x18: {  	[hbm4b:s15+s31] =	stream.linear.scatter [tilespmem:s14], [sflag:$0x3], $0x1000, $0x38;
	[tilespmem:$0x4000] =	vst v63  }
.LBB2_5:
0x19: {  	s15 =	sadd.s32 $0x20000, s11  }
0x1a: {  	p2 =	sgt.s32 s15, $0x3FFFF  }
0x1b: {  	s15 =	smov.u32 @p2 s3;
	p2 =	sne.s32 s12, s9  }
.Ltmp1:
0x1c: {  	p1 =	slt.u32 s12, $0x2;
	(pc) =	sbr.rel @!p2 .LBB2_6-.Ltmp1, $4  }
0x1d: {  	s14 =	simm.s32 @!p1 $0x3  }
0x1e: {  	s16 =	sadd.s32 $0x1, s12;
	_ =	swait.ge @!p1 [sflag:s14], $0x1000  }
0x1f: {  	s13 =	smov.u32 s11;
	p0 =	por !p0, !p0;
	[sflag:s14] =	ssyncset.done @!p1 $0x0  }
0x20: {  	s12 =	smov.u32 s16;
	s11 =	smov.u32 s15;
	[sflag:s14] =	ssyncadd.s32 @!p1 $0xFFFFF000  }
.LBB2_1:
0x21: {  	p1 =	sge.u32 s12, s8  }
0x22: {  	s14 =	sxor.u32 @!p1 $0xFFFFFFFF, s12  }
0x23: {  	s31 =	sadd.s32 $0xFFFFFFFF, s12;
	s15 =	sshrl.u32 @!p1 s11, $0x3;
	s14 =	sshll.u32 @!p1 s14, $0xC  }
0x24: {  	s16 =	sand.u32 @!p1 $0x7, s11;
	s15 =	sadd.s32 @!p1 s4, s15;
	s14 =	sand.u32 @!p1 $0x1000, s14  }
0x25: {  	[tilespmem:s14], [sflag:$0x2] =	stream.linear.gather @!p1 [hbm4b:s15+s16], $0x1000, $0x38;
	[tilespmem:$0x4000] =	vst v63  }
0x26: {  	p1 =	sge.u32 s31, s8  }
.Ltmp2:
0x27: {  	_ = 	snop;
	(pc) =	sbr.rel @p1 .LBB2_5-.Ltmp2, $1  }
0x28: {  	_ =	sdelay $0x3  }
0x29: {  	s14 =	simm.s32 $0x1  }
0x2a: {  	_ =	swait.ge [sflag:s7], $0x1000;
	s14 =	simm.s32 @!p0 $0x0  }
0x2b: {  	[sflag:s7] =	ssyncset.done $0x0;
	s14 =	sshll.u32 s14, $0xC  }
0x2c: {  	[sflag:s7] =	ssyncadd.s32 $0xFFFFF000;
	(ifvalue) =	ssetifvalue $0x7FFFFFFF;
	v0 =	vld.msk [tilespmem:s14+$0x0 ss:$0x1], $0xffff;
	_ =	sdelay $0x4  }
0x2d: {  	s15 =	sadd.s32 $0x10, s14;
	vm1 =	vgt.s32 v0, $0x0  }
0x2e: {  	v2 =	vld.msk [tilespmem:s15+$0x0 ss:$0x1], $0xffff;
	v1 =	vnsel vm1, $0x0, v0  }
0x2f: {  	v1 =	vmin.u32 v1, $0x3FFFF;
	_ =	sdelay $0x1  }
0x30: {  	s16 =	sshll.u32 s12, $0xC;
	s18 =	simm.s32 $0x20  }
0x31: {  	s16 =	sand.u32 $0x1000, s16;
	s17 =	sadd.s32 $0x10, s15;
	s15 =	sor.u32 $0x2000, s14  }
0x32: {  	s14 =	sor.u32 $0x2000, s16;
	s16 =	sadd.s32 $0x10, s15;
	v0 =	vld.msk [tilespmem:s17+$0x0 ss:$0x1], $0xffff;
	vm1 =	vgt.s32 v2, $0x0;
	(ifvalue) =	ssetifvalue $0x7FFFFFFF  }
.LBB2_3:
0x33: {  	[tilespmem:s15], [sflag:$0x1] =	stream.indirect_vreg.gather [hbm4b:s2+s10], $0x1, v1, vm0, $0x4038;
	[tilespmem:$0x4000] =	vst v63  }
0x34: {  	s18 =	sadd.s32 $0x10, s18  }
0x35: {  	v2 =	vnsel vm1, $0x0, v2;
	p1 =	slt.u32 s18, $0xFF0  }
.Ltmp3:
0x36: {  	s15 =	smov.u32 s16;
	v1 =	vmin.u32 v2, $0x3FFFF;
	(pc) =	sbr.rel @p1 .LBB2_3-.Ltmp3, $3  }
0x37: {  	_ =	sdelay $0x1  }
0x38: {  	s17 =	sadd.s32 $0x10, s17  }
0x39: {  	vm1 =	vgt.s32 v0, $0x0;
	s16 =	sadd.s32 $0x10, s16;
	v2 =	vmov v0;
	(ifvalue) =	ssetifvalue $0x7FFFFFFF;
	v0 =	vld.msk [tilespmem:s17+$0x0 ss:$0x1], $0xffff  }
.Ltmp4:
0x3a: {  	_ = 	snop;
	(pc) =	sbr.rel .LBB2_4-.Ltmp4, $1  }
0x3b: {  	_ =	sdelay $0x3  }
.LBB2_6:
0x3c: {  	_ =	sfence.sel $0x180000  }
0x3d: {  	s2 =	simm.s32 $0x2;
	[bflag:$0x0] =	sbarrier.arrive $0xFFFF  }
0x3e: {  	s30 =	simm.s32 $0x3;
	[sflag:s2] =	ssyncpa.u1 $0x1  }
0x3f: {  	s31 =	simm.s32 $0x1;
	[sflag:s30] =	ssyncpa.u1 $0x1  }
0x40: {  	[sflag:s31] =	ssyncpa.u1 $0x1  }
0x41: {  	p0 =	sne.s32 s0, $0x0;
	_ =	strace $0x90000047  }
0x42: {  	s0 =	sadd.s32 @!p0 $0x100000, s1;
	[bflag:$0x2] =	sbarrier.arrive $0xFFFF  }
0x43: {  	[sflag:s0] =	ssyncadd.tile.s32 @!p0 $0x1;
	_ =	shalt  }
.Lfunc_end2:
_tile_overlayer_lowered:
.L_overlay_start_2:
0x44: {  	(tag) =	ssettag $0x2  }
0x45: {  	s0 =	rddreg [dreg:$0x0];
	s2 =	stileid.u32  }
0x46: {  	s1 =	rddreg [dreg:$0x1];
	p0 =	sne.s32 s2, $0x0  }
0x47: {  	s3 =	rddreg [dreg:$0x2];
	[bflag:$0x3] =	sbarrier.arrive $0xFFFF;
	s2 =	simm.s32 @!p0 $0x1C01  }
0x48: {  	[timem:s3], [sflag:s2] =	dma.local @!p0 [hbm:s0], s1  }
0x49: {  	s0 =	simm.s32 @!p0 $0x1  }
0x4a: {  	_ =	swait.ge @!p0 [sflag:s0], s1  }
0x4b: {  	s1 =	ssub.s32 @!p0 $0x0, s1;
	[sflag:s0] =	ssyncset.done @!p0 $0x0  }
0x4c: {  	[sflag:s0] =	ssyncadd.s32 @!p0 s1  }
0x4d: {  	[bflag:$0x3] =	sbarrier.arrive $0xFFFF  }
0x4e: {  	_ =	shalt  }

</sc_bundles>
